<compile_context>
chip_gen: v7x
topology: tpu7x:2x2x1
jax: 0.10.2.dev20260603
libtpu: 0.0.44.dev20260713+nightly
codegen_flags: <defaults>
</compile_context>

<pallas_src>
import functools

import jax
import jax.numpy as jnp
from jax import lax
from jax.experimental import pallas as pl
from jax.experimental.pallas import tpu as pltpu
from jax.experimental.pallas import tpu_sc as plsc

_N = 100000
_E = 1600000
_NC, _NS = 2, 16
_NPAD = 100096

_DEG_IDX_PER_CALL = 128
_E2 = 1638400
_DEG_ROWS_PER_TILE = _E2 // _DEG_IDX_PER_CALL // (_NC * _NS)
_DEG_CALLS_PER_CHUNK = 8
_DEG_CHUNKS = _DEG_ROWS_PER_TILE // _DEG_CALLS_PER_CHUNK


def _deg_body(dst2d, degp, idx_v, ones_v, zslice_v, sem, deg_sh):
    cid = lax.axis_index("c")
    sid = lax.axis_index("s")
    wid = cid * _NS + sid
    nslice = _NPAD // _NS
    def _fill(i, _):
        ones_v[pl.ds(i * 16, 16)] = jnp.ones((16,), jnp.float32)
        return 0
    lax.fori_loop(0, _DEG_IDX_PER_CALL // 16, _fill, 0)
    def _zfill(i, _):
        zslice_v[pl.ds(i * 16, 16)] = jnp.zeros((16,), jnp.float32)
        return 0
    lax.fori_loop(0, nslice // 16, _zfill, 0)
    pltpu.sync_copy(zslice_v, deg_sh.at[pl.ds(sid * nslice, nslice)])
    plsc.subcore_barrier()
    rows_per_chunk = _DEG_CALLS_PER_CHUNK
    base_row = wid * _DEG_ROWS_PER_TILE

    def _chunk(i, _):
        pltpu.sync_copy(dst2d.at[pl.ds(base_row + i * rows_per_chunk,
                                       rows_per_chunk), :], idx_v)
        def _call(k, _):
            pltpu.sync_copy(ones_v, deg_sh.at[idx_v.at[k]], add=True)
            return 0
        lax.fori_loop(0, _DEG_CALLS_PER_CHUNK, _call, 0, unroll=False)
        return 0
    lax.fori_loop(0, _DEG_CHUNKS, _chunk, 0, unroll=False)
    plsc.subcore_barrier()
    pltpu.sync_copy(deg_sh.at[pl.ds(sid * nslice, nslice)], zslice_v)
    pltpu.sync_copy(zslice_v,
                    degp.at[pl.ds(cid * _NPAD + sid * nslice, nslice)])


@jax.jit
def _sc_degree(dst2d):
    return pl.kernel(
        _deg_body,
        out_type=jax.ShapeDtypeStruct((_NC * _NPAD,), jnp.float32),
        mesh=plsc.VectorSubcoreMesh(core_axis_name="c", subcore_axis_name="s"),
        scratch_types=[
            pltpu.VMEM((_DEG_CALLS_PER_CHUNK, _DEG_IDX_PER_CALL), jnp.int32),
            pltpu.VMEM((_DEG_IDX_PER_CALL,), jnp.float32),
            pltpu.VMEM((_NPAD // _NS,), jnp.float32),
            pltpu.SemaphoreType.DMA,
            pltpu.VMEM_SHARED((_NPAD,), jnp.float32),
        ],
    )(dst2d)


_BLK = 8448
_NP2 = 12 * _BLK
_ACC_R = _BLK + 16
_ESH = _E // _NS
_ECH = 2000
_NCH = _ESH // _ECH
_NVR = _ECH // 16


def _edge_body(src_h, dst_h, hs_h, z_h, acc_h,
               srcc, dstc, ssrc, sdst, fsrc, fdst, rows_v, zbuf, sem, acc_sh):
    cid = lax.axis_index("c")
    sid = lax.axis_index("s")
    pltpu.sync_copy(z_h, zbuf)
    ebase = sid * _ESH
    lanevec = lax.iota(jnp.int32, 16)

    def _flush():
        for k in range(8):
            fsrc[pl.ds(k * 16, 16)] = ssrc[pl.ds(k * 16, 16)]
            fdst[pl.ds(k * 16, 16)] = sdst[pl.ds(k * 16, 16)]
        pltpu.async_copy(hs_h.at[fsrc], rows_v, sem).wait()
        pltpu.sync_copy(rows_v, acc_sh.at[fdst], add=True)

    for bl in range(6):
        blk = cid * 6 + bl
        lo = blk * _BLK
        pltpu.sync_copy(zbuf, acc_sh.at[pl.ds(sid * (_ACC_R // _NS),
                                              _ACC_R // _NS)])
        plsc.subcore_barrier()

        def _chunk(i, f):
            pltpu.sync_copy(src_h.at[pl.ds(ebase + i * _ECH, _ECH)], srcc)
            pltpu.sync_copy(dst_h.at[pl.ds(ebase + i * _ECH, _ECH)], dstc)

            def _vreg(j, f):
                dv = dstc[pl.ds(j * 16, 16)]
                sv = srcc[pl.ds(j * 16, 16)]
                m = (dv >= lo) & (dv < lo + _BLK)
                mi = m.astype(jnp.int32)
                pos = plsc.cumsum(mi) + (f - 1)
                plsc.store_scatter(sdst, [pos], dv - lo, mask=m)
                plsc.store_scatter(ssrc, [pos], sv, mask=m)
                f = f + jnp.sum(mi)

                def _do_flush(f):
                    _flush()
                    ssrc[pl.ds(0, 16)] = ssrc[pl.ds(128, 16)]
                    sdst[pl.ds(0, 16)] = sdst[pl.ds(128, 16)]
                    return f - 128

                return lax.cond(f >= 128, _do_flush, lambda f: f, f)

            return lax.fori_loop(0, _NVR, _vreg, f)

        f = lax.fori_loop(0, _NCH, _chunk, jnp.int32(0))
        for k in range(8):
            mk = (lanevec + (k * 16)) < f
            sdst[pl.ds(k * 16, 16)] = jnp.where(mk, sdst[pl.ds(k * 16, 16)],
                                                _BLK + sid)
            ssrc[pl.ds(k * 16, 16)] = jnp.where(mk, ssrc[pl.ds(k * 16, 16)],
                                                sid * 512)
        _flush()
        plsc.subcore_barrier()
        pltpu.sync_copy(acc_sh.at[pl.ds(sid * 528, 528)], zbuf.at[pl.ds(0, 528)])
        pltpu.sync_copy(zbuf.at[pl.ds(0, 528)],
                        acc_h.at[pl.ds(lo + sid * 528, 528)])
        pltpu.sync_copy(z_h, zbuf)


@jax.jit
def _sc_edge(src, dst, hs):
    z = hs[:_ACC_R // _NS] * 0.0
    return pl.kernel(
        _edge_body,
        out_type=jax.ShapeDtypeStruct((_NP2, 128), jnp.float32),
        mesh=plsc.VectorSubcoreMesh(core_axis_name="c", subcore_axis_name="s"),
        scratch_types=[
            pltpu.VMEM((_ECH,), jnp.int32),
            pltpu.VMEM((_ECH,), jnp.int32),
            pltpu.VMEM((144,), jnp.int32),
            pltpu.VMEM((144,), jnp.int32),
            pltpu.VMEM((128,), jnp.int32),
            pltpu.VMEM((128,), jnp.int32),
            pltpu.VMEM((128, 128), jnp.float32),
            pltpu.VMEM((_ACC_R // _NS, 128), jnp.float32),
            pltpu.SemaphoreType.DMA,
            pltpu.VMEM_SHARED((_ACC_R, 128), jnp.float32),
        ],
    )(src, dst, hs, z)


_RB = 792
_NBLK = _NP2 // _RB
_G = 64
_HI = jax.lax.Precision.HIGHEST


def _lin1_body(x_ref, d0_ref, d1_ref, w_ref, hs_ref, dinv_ref):
    dinv = jax.lax.rsqrt(d0_ref[...] + d1_ref[...] + 1.0)
    z = jax.lax.dot_general(x_ref[...], w_ref[...], (((1,), (1,)), ((), ())),
                            preferred_element_type=jnp.float32, precision=_HI)
    hs_ref[...] = z * dinv
    dinv_ref[...] = dinv


def _tc_lin1(x32, d0, d1, w1p):
    return pl.pallas_call(
        _lin1_body,
        grid=(_NBLK,),
        in_specs=[
            pl.BlockSpec((_RB, 29), lambda i: (i, 0)),
            pl.BlockSpec((_RB, 1), lambda i: (i, 0)),
            pl.BlockSpec((_RB, 1), lambda i: (i, 0)),
            pl.BlockSpec((128, 29), lambda i: (0, 0)),
        ],
        out_specs=(pl.BlockSpec((_RB, 128), lambda i: (i, 0)),
                   pl.BlockSpec((_RB, 1), lambda i: (i, 0))),
        out_shape=(jax.ShapeDtypeStruct((_NP2, 128), jnp.float32),
                   jax.ShapeDtypeStruct((_NP2, 1), jnp.float32)),
    )(x32, d0, d1, w1p)


def _fuse_body(acc_ref, hs_ref, dinv_ref, b_ref, w_ref, out_ref):
    dinv = dinv_ref[...]
    h = jnp.maximum((acc_ref[...] + hs_ref[...]) * dinv + b_ref[...], 0.0)
    out_ref[...] = jax.lax.dot_general(
        h, w_ref[...], (((1,), (1,)), ((), ())),
        preferred_element_type=jnp.float32, precision=_HI) * dinv


def _tc_fuse(acc, hs, dinv, b, w):
    return pl.pallas_call(
        _fuse_body,
        grid=(_NBLK,),
        in_specs=[
            pl.BlockSpec((_RB, 128), lambda i: (i, 0)),
            pl.BlockSpec((_RB, 128), lambda i: (i, 0)),
            pl.BlockSpec((_RB, 1), lambda i: (i, 0)),
            pl.BlockSpec((1, 128), lambda i: (0, 0)),
            pl.BlockSpec((128, 128), lambda i: (0, 0)),
        ],
        out_specs=pl.BlockSpec((_RB, 128), lambda i: (i, 0)),
        out_shape=jax.ShapeDtypeStruct((_NP2, 128), jnp.float32),
    )(acc, hs, dinv, b.reshape(1, 128), w)


def _pool_body(acc_ref, hs_ref, dinv_ref, b_ref, bat_ref, wmu_ref, bmu_ref,
               wlv_ref, blv_ref, mu_ref, lv_ref, sum_ref, cnt_ref):
    i = pl.program_id(0)
    h = jnp.maximum((acc_ref[...] + hs_ref[...]) * dinv_ref[...] + b_ref[...],
                    0.0)
    oh = (bat_ref[...] == jax.lax.broadcasted_iota(jnp.int32, (1, _G), 1)
          ).astype(jnp.float32)
    psum = jax.lax.dot_general(oh, h, (((0,), (0,)), ((), ())),
                               preferred_element_type=jnp.float32,
                               precision=_HI)
    pcnt = jnp.sum(oh, axis=0, keepdims=True)

    @pl.when(i == 0)
    def _init():
        sum_ref[...] = jnp.zeros_like(sum_ref)
        cnt_ref[...] = jnp.zeros_like(cnt_ref)

    sum_ref[...] += psum
    cnt_ref[...] += pcnt

    @pl.when(i == _NBLK - 1)
    def _heads():
        p = sum_ref[...] / jnp.maximum(cnt_ref[...].T, 1.0)
        mu_ref[...] = jax.lax.dot_general(
            p, wmu_ref[...], (((1,), (1,)), ((), ())),
            preferred_element_type=jnp.float32,
            precision=_HI) + bmu_ref[...]
        lv_ref[...] = jax.lax.dot_general(
            p, wlv_ref[...], (((1,), (1,)), ((), ())),
            preferred_element_type=jnp.float32,
            precision=_HI) + blv_ref[...]


def _tc_pool(acc, hs, dinv, b, bat2d, wmu, bmu, wlv, blv):
    L = wmu.shape[0]
    return pl.pallas_call(
        _pool_body,
        grid=(_NBLK,),
        in_specs=[
            pl.BlockSpec((_RB, 128), lambda i: (i, 0)),
            pl.BlockSpec((_RB, 128), lambda i: (i, 0)),
            pl.BlockSpec((_RB, 1), lambda i: (i, 0)),
            pl.BlockSpec((1, 128), lambda i: (0, 0)),
            pl.BlockSpec((_RB, 1), lambda i: (i, 0)),
            pl.BlockSpec((L, 128), lambda i: (0, 0)),
            pl.BlockSpec((1, L), lambda i: (0, 0)),
            pl.BlockSpec((L, 128), lambda i: (0, 0)),
            pl.BlockSpec((1, L), lambda i: (0, 0)),
        ],
        out_specs=(pl.BlockSpec((_G, L), lambda i: (0, 0)),
                   pl.BlockSpec((_G, L), lambda i: (0, 0)),
                   pl.BlockSpec((_G, 128), lambda i: (0, 0)),
                   pl.BlockSpec((1, _G), lambda i: (0, 0))),
        out_shape=(jax.ShapeDtypeStruct((_G, L), jnp.float32),
                   jax.ShapeDtypeStruct((_G, L), jnp.float32),
                   jax.ShapeDtypeStruct((_G, 128), jnp.float32),
                   jax.ShapeDtypeStruct((1, _G), jnp.float32)),
    )(acc, hs, dinv, b.reshape(1, 128), bat2d, wmu, bmu.reshape(1, L),
      wlv, blv.reshape(1, L))


def _heads_body(pooled_ref, wmu_ref, bmu_ref, wlv_ref, blv_ref,
                mu_ref, lv_ref):
    p = pooled_ref[...]
    mu_ref[...] = jax.lax.dot_general(
        p, wmu_ref[...], (((1,), (1,)), ((), ())),
        preferred_element_type=jnp.float32, precision=_HI) + bmu_ref[...][None, :]
    lv_ref[...] = jax.lax.dot_general(
        p, wlv_ref[...], (((1,), (1,)), ((), ())),
        preferred_element_type=jnp.float32, precision=_HI) + blv_ref[...][None, :]


def kernel(x, edge_index, batch, W1, b1, W2, b2, W3, b3, Wmu, bmu, Wlv, blv):
    src = edge_index[0]
    dst = edge_index[1]
    pad = _N + (jnp.arange(_E2 - _E, dtype=jnp.int32) % (_NPAD - _N))
    dstp = jnp.concatenate([dst, pad])
    degp = _sc_degree(dstp.reshape(_E2 // _DEG_IDX_PER_CALL,
                                   _DEG_IDX_PER_CALL))
    deg = degp[:_N] + degp[_NPAD:_NPAD + _N] + 1.0
    dinv = jax.lax.rsqrt(deg)[:, None]
    hs1 = (x @ W1.T) * dinv
    acc1 = jax.ops.segment_sum(hs1[src], dst, num_segments=_N)
    h2 = jnp.maximum((acc1 + hs1) * dinv + b1, 0.0)
    hs2 = (h2 @ W2.T) * dinv
    acc2 = jax.ops.segment_sum(hs2[src], dst, num_segments=_N)
    h3 = jnp.maximum((acc2 + hs2) * dinv + b2, 0.0)
    hs3 = (h3 @ W3.T) * dinv
    acc3 = jax.ops.segment_sum(hs3[src], dst, num_segments=_N)
    h4 = jnp.maximum((acc3 + hs3) * dinv + b3, 0.0)
    cnt = jax.ops.segment_sum(jnp.ones((_N,), jnp.float32), batch,
                              num_segments=_G)
    pooled = jax.ops.segment_sum(h4, batch, num_segments=_G)
    pooled = pooled / jnp.maximum(cnt, 1.0)[:, None]
    mu, lv = pl.pallas_call(
        _heads_body,
        out_shape=(jax.ShapeDtypeStruct((_G, 256), jnp.float32),
                   jax.ShapeDtypeStruct((_G, 256), jnp.float32)),
    )(pooled, Wmu, bmu, Wlv, blv)
    return (mu, lv)

# --- scband reference (transcript-rebuilt; emitter-appended) ---
"""Pipeline reference for scband-graph-encoder-72859825209530 (READ-ONLY COPY).

The authoritative reference and input builder live on the scoring server;
editing this copy changes nothing except your own understanding.
"""

import jax, jax.numpy as jnp
import numpy as np

N = 100000
E = 1600000
G = 64
IN = 29
H = 128
L = 256


def setup_inputs(seed: int = 0) -> dict:
    key = jax.random.key(seed)
    ks = jax.random.split(key, 14)
    x = jax.random.normal(ks[0], (N, IN), dtype=jnp.float32)
    edge_index = jax.random.randint(ks[1], (2, E), 0, N, dtype=jnp.int32)
    batch = jnp.sort(jax.random.randint(ks[2], (N,), 0, G, dtype=jnp.int32))
    def lin(k, out_d, in_d):
        return jax.random.normal(k, (out_d, in_d), dtype=jnp.float32) * (1.0 / np.sqrt(in_d))
    W1 = lin(ks[3], H, IN); b1 = jnp.zeros((H,), jnp.float32)
    W2 = lin(ks[4], H, H); b2 = jnp.zeros((H,), jnp.float32)
    W3 = lin(ks[5], H, H); b3 = jnp.zeros((H,), jnp.float32)
    Wmu = lin(ks[6], L, H); bmu = jnp.zeros((L,), jnp.float32)
    Wlv = lin(ks[7], L, H); blv = jnp.zeros((L,), jnp.float32)
    return {"x": x, "edge_index": edge_index, "batch": batch,
            "W1": W1, "b1": b1, "W2": W2, "b2": b2, "W3": W3, "b3": b3,
            "Wmu": Wmu, "bmu": bmu, "Wlv": Wlv, "blv": blv}


def gcn_conv(x, edge_index, W, b):
    # PyG GCNConv: lin -> add self-loops -> sym-normalized scatter-add -> +bias
    n = x.shape[0]
    src = edge_index[0]
    dst = edge_index[1]
    loop = jnp.arange(n, dtype=src.dtype)
    s = jnp.concatenate([src, loop])
    d = jnp.concatenate([dst, loop])
    h = x @ W.T
    ones = jnp.ones(s.shape[0], dtype=h.dtype)
    deg = jax.ops.segment_sum(ones, d, num_segments=n)
    dinv = jnp.where(deg > 0, deg ** -0.5, 0.0)
    norm = dinv[s] * dinv[d]
    msg = h[s] * norm[:, None]
    out = jax.ops.segment_sum(msg, d, num_segments=n)
    return out + b


def reference(x, edge_index, batch, W1, b1, W2, b2, W3, b3, Wmu, bmu, Wlv, blv):
    h = jax.nn.relu(gcn_conv(x, edge_index, W1, b1))
    h = jax.nn.relu(gcn_conv(h, edge_index, W2, b2))
    h = jax.nn.relu(gcn_conv(h, edge_index, W3, b3))
    cnt = jax.ops.segment_sum(jnp.ones(h.shape[0], dtype=h.dtype), batch, num_segments=G)
    summed = jax.ops.segment_sum(h, batch, num_segments=G)
    pooled = summed / jnp.maximum(cnt, 1.0)[:, None]
    mu = pooled @ Wmu.T + bmu
    logvar = pooled @ Wlv.T + blv
    return (mu, logvar)

if __name__ == "__main__":
    import jax
    _d = setup_inputs()
    print(jax.jit(kernel)(*tuple(_d.values())))

</pallas_src>

<mosaic_0001>
#map = affine_map<(d0, d1) -> (0, 0)>
#map1 = affine_map<(d0, d1) -> (0)>
module attributes {stable_mosaic.version = 14 : i64} {
  func.func @_deg_body(%arg0: i32, %arg1: i32, %arg2: memref<12800x128xi32, #tpu.memory_space<hbm>>, %arg3: memref<200192xf32, #tpu.memory_space<hbm>>, %arg4: memref<8x128xi32, #tpu.memory_space<vmem>>, %arg5: memref<128xf32, #tpu.memory_space<vmem>>, %arg6: memref<6256xf32, #tpu.memory_space<vmem>>, %arg7: memref<!tpu.dma_semaphore, #tpu.memory_space<semaphore_mem>>, %arg8: memref<100096xf32, #tpu.memory_space<vmem_shared>>) attributes {dimension_semantics = [#tpu.dimension_semantics<core_parallel>, #tpu.dimension_semantics<subcore_parallel>], iteration_bounds = array<i64: 2, 16>, scalar_prefetch = 0 : i64, scratch_operands = 5 : i64, tpu.core_type = #tpu.core_type<sc_vector_subcore>, window_params = [{transform_indices = #map}, {transform_indices = #map1}]} {
    %mul3A = arith.constant 16 : i32
    %mul3A_0 = arith.muli %arg0, %mul3A : i32
    %add3A = arith.addi %mul3A_0, %arg1 : i32
    %scan3A = arith.constant 0 : i32
    %scan3A_1 = arith.constant 0 : i32
    %scan3A_2 = arith.constant 8 : i32
    %scan3A_3 = arith.addi %scan3A_1, %scan3A_2 : i32
    %scan3A_4 = arith.constant 1 : i32
    %scan3A_5 = scf.for %scan3A_33 = %scan3A_1 to %scan3A_3 step %scan3A_4 iter_args(%scan3A_34 = %scan3A) -> (i32)  : i32 {
      %broadcast_in_dim3A = arith.constant 1.000000e+00 : f32
      %broadcast_in_dim3A_35 = vector.broadcast %broadcast_in_dim3A : f32 to vector<16xf32>
      %mul3A_36 = arith.constant 16 : i32
      %mul3A_37 = arith.muli %scan3A_33, %mul3A_36 : i32
      %swap3A = arith.index_cast %mul3A_37 : i32 to index
      %swap3A_38 = tpu.vector_load %arg5[%swap3A] {strides = array<i32>} : memref<128xf32, #tpu.memory_space<vmem>>, vector<16xf32>,
      %swap3A_39 = vector.shape_cast %swap3A_38 : vector<16xf32> to vector<16xf32>
      %swap3A_40 = vector.shape_cast %broadcast_in_dim3A_35 : vector<16xf32> to vector<16xf32>
      tpu.vector_store %arg5[%swap3A], %swap3A_40 {strides = array<i32>} : memref<128xf32, #tpu.memory_space<vmem>>, vector<16xf32>,
      %scan3A_41 = arith.constant 0 : i32
      scf.yield %scan3A_41 : i32
    }
    %scan3A_6 = arith.constant 8 : i32
    %scan3A_7 = arith.constant 0 : i32
    %scan3A_8 = arith.constant 0 : i32
    %scan3A_9 = arith.constant 391 : i32
    %scan3A_10 = arith.addi %scan3A_8, %scan3A_9 : i32
    %scan3A_11 = arith.constant 1 : i32
    %scan3A_12 = scf.for %scan3A_33 = %scan3A_8 to %scan3A_10 step %scan3A_11 iter_args(%scan3A_34 = %scan3A_7) -> (i32)  : i32 {
      %broadcast_in_dim3A = arith.constant 0.000000e+00 : f32
      %broadcast_in_dim3A_35 = vector.broadcast %broadcast_in_dim3A : f32 to vector<16xf32>
      %mul3A_36 = arith.constant 16 : i32
      %mul3A_37 = arith.muli %scan3A_33, %mul3A_36 : i32
      %swap3A = arith.index_cast %mul3A_37 : i32 to index
      %swap3A_38 = tpu.vector_load %arg6[%swap3A] {strides = array<i32>} : memref<6256xf32, #tpu.memory_space<vmem>>, vector<16xf32>,
      %swap3A_39 = vector.shape_cast %swap3A_38 : vector<16xf32> to vector<16xf32>
      %swap3A_40 = vector.shape_cast %broadcast_in_dim3A_35 : vector<16xf32> to vector<16xf32>
      tpu.vector_store %arg6[%swap3A], %swap3A_40 {strides = array<i32>} : memref<6256xf32, #tpu.memory_space<vmem>>, vector<16xf32>,
      %scan3A_41 = arith.constant 0 : i32
      scf.yield %scan3A_41 : i32
    }
    %scan3A_13 = arith.constant 391 : i32
    %mul3A_14 = arith.constant 6256 : i32
    %mul3A_15 = arith.muli %arg1, %mul3A_14 : i32
    "tpu.region"() ({
      %run_scoped3A = tpu.sem_alloc : memref<!tpu.dma_semaphore, #tpu.memory_space<semaphore_mem>>
      %dma_start3A = tpu.memref_slice %arg8[%mul3A_15] : memref<100096xf32, #tpu.memory_space<vmem_shared>> -> memref<6256xf32, #tpu.memory_space<vmem_shared>>
      %dma_start3A_33 = tpu.memref_slice %arg8[%mul3A_15] : memref<100096xf32, #tpu.memory_space<vmem_shared>> -> memref<6256xf32, #tpu.memory_space<vmem_shared>>
      tpu.enqueue_dma source(%arg6 : memref<6256xf32, #tpu.memory_space<vmem>>) target(%dma_start3A_33 : memref<6256xf32, #tpu.memory_space<vmem_shared>>) target_semaphore(%run_scoped3A : memref<!tpu.dma_semaphore, #tpu.memory_space<semaphore_mem>>)
      %dma_wait3A = tpu.memref_slice %arg8[%mul3A_15] : memref<100096xf32, #tpu.memory_space<vmem_shared>> -> memref<6256xf32, #tpu.memory_space<vmem_shared>>
      %dma_wait3A_34 = tpu.memref_slice %arg8[%mul3A_15] : memref<100096xf32, #tpu.memory_space<vmem_shared>> -> memref<6256xf32, #tpu.memory_space<vmem_shared>>
      tpu.wait_dma2 semaphore(%run_scoped3A : memref<!tpu.dma_semaphore, #tpu.memory_space<semaphore_mem>>) src(%arg6 : memref<6256xf32, #tpu.memory_space<vmem>>) dst(%dma_wait3A_34 : memref<6256xf32, #tpu.memory_space<vmem_shared>>)
      tpu.yield
    }) : () -> ()
    %barrier3A = arith.constant 0 : index
    tpu.barrier barrier_id(%barrier3A)
    %mul3A_16 = arith.constant 400 : i32
    %mul3A_17 = arith.muli %add3A, %mul3A_16 : i32
    %scan3A_18 = arith.constant 0 : i32
    %scan3A_19 = arith.constant 0 : i32
    %scan3A_20 = arith.constant 50 : i32
    %scan3A_21 = arith.addi %scan3A_19, %scan3A_20 : i32
    %scan3A_22 = arith.constant 1 : i32
    %scan3A_23 = scf.for %scan3A_33 = %scan3A_19 to %scan3A_21 step %scan3A_22 iter_args(%scan3A_34 = %scan3A_18) -> (i32)  : i32 {
      %mul3A_35 = arith.constant 8 : i32
      %mul3A_36 = arith.muli %scan3A_33, %mul3A_35 : i32
      %add3A_37 = arith.addi %mul3A_17, %mul3A_36 : i32
      "tpu.region"() ({
        %run_scoped3A = tpu.sem_alloc : memref<!tpu.dma_semaphore, #tpu.memory_space<semaphore_mem>>
        %dma_start3A = arith.constant 0 : i32
        %dma_start3A_46 = tpu.memref_slice %arg2[%add3A_37, %dma_start3A] : memref<12800x128xi32, #tpu.memory_space<hbm>> -> memref<8x128xi32, #tpu.memory_space<hbm>>
        %dma_start3A_47 = arith.constant 0 : i32
        %dma_start3A_48 = tpu.memref_slice %arg2[%add3A_37, %dma_start3A_47] : memref<12800x128xi32, #tpu.memory_space<hbm>> -> memref<8x128xi32, #tpu.memory_space<hbm>>
        tpu.enqueue_dma source(%dma_start3A_48 : memref<8x128xi32, #tpu.memory_space<hbm>>) target(%arg4 : memref<8x128xi32, #tpu.memory_space<vmem>>) target_semaphore(%run_scoped3A : memref<!tpu.dma_semaphore, #tpu.memory_space<semaphore_mem>>)
        %dma_wait3A = arith.constant 0 : i32
        %dma_wait3A_49 = tpu.memref_slice %arg2[%add3A_37, %dma_wait3A] : memref<12800x128xi32, #tpu.memory_space<hbm>> -> memref<8x128xi32, #tpu.memory_space<hbm>>
        %dma_wait3A_50 = arith.constant 0 : i32
        %dma_wait3A_51 = tpu.memref_slice %arg2[%add3A_37, %dma_wait3A_50] : memref<12800x128xi32, #tpu.memory_space<hbm>> -> memref<8x128xi32, #tpu.memory_space<hbm>>
        tpu.wait_dma2 semaphore(%run_scoped3A : memref<!tpu.dma_semaphore, #tpu.memory_space<semaphore_mem>>) src(%dma_wait3A_51 : memref<8x128xi32, #tpu.memory_space<hbm>>) dst(%arg4 : memref<8x128xi32, #tpu.memory_space<vmem>>)
        tpu.yield
      }) : () -> ()
      %scan3A_38 = arith.constant 0 : i32
      %scan3A_39 = arith.constant 0 : i32
      %scan3A_40 = arith.constant 8 : i32
      %scan3A_41 = arith.addi %scan3A_39, %scan3A_40 : i32
      %scan3A_42 = arith.constant 1 : i32
      %scan3A_43 = scf.for %scan3A_46 = %scan3A_39 to %scan3A_41 step %scan3A_42 iter_args(%scan3A_47 = %scan3A_38) -> (i32)  : i32 {
        "tpu.region"() ({
          %run_scoped3A = tpu.sem_alloc : memref<!tpu.dma_semaphore, #tpu.memory_space<semaphore_mem>>
          %dma_start3A = arith.constant 0 : i32
          %dma_start3A_49 = tpu.memref_slice %arg4[%scan3A_46, %dma_start3A] : memref<8x128xi32, #tpu.memory_space<vmem>> -> memref<1x128xi32, #tpu.memory_space<vmem>>
          %dma_start3A_50 = tpu.memref_squeeze %dma_start3A_49 : memref<1x128xi32, #tpu.memory_space<vmem>> -> memref<128xi32, #tpu.memory_space<vmem>>
          %dma_start3A_51 = arith.constant 0 : i32
          %dma_start3A_52 = tpu.memref_slice %arg8[%dma_start3A_51] : memref<100096xf32, #tpu.memory_space<vmem_shared>> -> memref<100096xf32, #tpu.memory_space<vmem_shared>>
          tpu.enqueue_indirect_dma source(%arg5 : memref<128xf32, #tpu.memory_space<vmem>>) target(%dma_start3A_52 : memref<100096xf32, #tpu.memory_space<vmem_shared>>) offsets(%dma_start3A_50 : memref<128xi32, #tpu.memory_space<vmem>>) semaphore(%run_scoped3A : memref<!tpu.dma_semaphore, #tpu.memory_space<semaphore_mem>>) {add = true}
          %dma_wait3A = arith.constant 0 : i32
          %dma_wait3A_53 = tpu.memref_slice %arg4[%scan3A_46, %dma_wait3A] : memref<8x128xi32, #tpu.memory_space<vmem>> -> memref<1x128xi32, #tpu.memory_space<vmem>>
          %dma_wait3A_54 = tpu.memref_squeeze %dma_wait3A_53 : memref<1x128xi32, #tpu.memory_space<vmem>> -> memref<128xi32, #tpu.memory_space<vmem>>
          %dma_wait3A_55 = arith.constant 0 : i32
          %dma_wait3A_56 = tpu.memref_slice %arg8[%dma_wait3A_55] : memref<100096xf32, #tpu.memory_space<vmem_shared>> -> memref<100096xf32, #tpu.memory_space<vmem_shared>>
          tpu.wait_indirect_dma semaphore(%run_scoped3A : memref<!tpu.dma_semaphore, #tpu.memory_space<semaphore_mem>>) src(%arg5 : memref<128xf32, #tpu.memory_space<vmem>>) dst(%dma_wait3A_56 : memref<100096xf32, #tpu.memory_space<vmem_shared>>)
          tpu.yield
        }) : () -> ()
        %scan3A_48 = arith.constant 0 : i32
        scf.yield %scan3A_48 : i32
      }
      %scan3A_44 = arith.constant 8 : i32
      %scan3A_45 = arith.constant 0 : i32
      scf.yield %scan3A_45 : i32
    }
    %scan3A_24 = arith.constant 50 : i32
    %barrier3A_25 = arith.constant 0 : index
    tpu.barrier barrier_id(%barrier3A_25)
    %mul3A_26 = arith.constant 6256 : i32
    %mul3A_27 = arith.muli %arg1, %mul3A_26 : i32
    "tpu.region"() ({
      %run_scoped3A = tpu.sem_alloc : memref<!tpu.dma_semaphore, #tpu.memory_space<semaphore_mem>>
      %dma_start3A = tpu.memref_slice %arg8[%mul3A_27] : memref<100096xf32, #tpu.memory_space<vmem_shared>> -> memref<6256xf32, #tpu.memory_space<vmem_shared>>
      %dma_start3A_33 = tpu.memref_slice %arg8[%mul3A_27] : memref<100096xf32, #tpu.memory_space<vmem_shared>> -> memref<6256xf32, #tpu.memory_space<vmem_shared>>
      tpu.enqueue_dma source(%dma_start3A_33 : memref<6256xf32, #tpu.memory_space<vmem_shared>>) target(%arg6 : memref<6256xf32, #tpu.memory_space<vmem>>) target_semaphore(%run_scoped3A : memref<!tpu.dma_semaphore, #tpu.memory_space<semaphore_mem>>)
      %dma_wait3A = tpu.memref_slice %arg8[%mul3A_27] : memref<100096xf32, #tpu.memory_space<vmem_shared>> -> memref<6256xf32, #tpu.memory_space<vmem_shared>>
      %dma_wait3A_34 = tpu.memref_slice %arg8[%mul3A_27] : memref<100096xf32, #tpu.memory_space<vmem_shared>> -> memref<6256xf32, #tpu.memory_space<vmem_shared>>
      tpu.wait_dma2 semaphore(%run_scoped3A : memref<!tpu.dma_semaphore, #tpu.memory_space<semaphore_mem>>) src(%dma_wait3A_34 : memref<6256xf32, #tpu.memory_space<vmem_shared>>) dst(%arg6 : memref<6256xf32, #tpu.memory_space<vmem>>)
      tpu.yield
    }) : () -> ()
    %mul3A_28 = arith.constant 100096 : i32
    %mul3A_29 = arith.muli %arg0, %mul3A_28 : i32
    %mul3A_30 = arith.constant 6256 : i32
    %mul3A_31 = arith.muli %arg1, %mul3A_30 : i32
    %add3A_32 = arith.addi %mul3A_29, %mul3A_31 : i32
    "tpu.region"() ({
      %run_scoped3A = tpu.sem_alloc : memref<!tpu.dma_semaphore, #tpu.memory_space<semaphore_mem>>
      %dma_start3A = tpu.memref_slice %arg3[%add3A_32] : memref<200192xf32, #tpu.memory_space<hbm>> -> memref<6256xf32, #tpu.memory_space<hbm>>
      %dma_start3A_33 = tpu.memref_slice %arg3[%add3A_32] : memref<200192xf32, #tpu.memory_space<hbm>> -> memref<6256xf32, #tpu.memory_space<hbm>>
      tpu.enqueue_dma source(%arg6 : memref<6256xf32, #tpu.memory_space<vmem>>) target(%dma_start3A_33 : memref<6256xf32, #tpu.memory_space<hbm>>) target_semaphore(%run_scoped3A : memref<!tpu.dma_semaphore, #tpu.memory_space<semaphore_mem>>)
      %dma_wait3A = tpu.memref_slice %arg3[%add3A_32] : memref<200192xf32, #tpu.memory_space<hbm>> -> memref<6256xf32, #tpu.memory_space<hbm>>
      %dma_wait3A_34 = tpu.memref_slice %arg3[%add3A_32] : memref<200192xf32, #tpu.memory_space<hbm>> -> memref<6256xf32, #tpu.memory_space<hbm>>
      tpu.wait_dma2 semaphore(%run_scoped3A : memref<!tpu.dma_semaphore, #tpu.memory_space<semaphore_mem>>) src(%arg6 : memref<6256xf32, #tpu.memory_space<vmem>>) dst(%dma_wait3A_34 : memref<6256xf32, #tpu.memory_space<hbm>>)
      tpu.yield
    }) : () -> ()
    return
  }
}

</mosaic_0001>

<sc_bundles>
// kernel: _sc_degree.3.cloned.1.call-start
scs
__scs_entry_jumppad:
0x0: {  	(pc) =	sbr.rel $0x88, $3  }
0x1: {  	(tag) =	ssettag $0x0;
	lr =	simm.s32 $0x1  }
0x2: {  	[smem:$0x3FA0] =	sst lr;
	_ =	strace $0xD0000000  }
0x3: {  	_ = 	snop  }
0x4: {  	_ = 	snop  }
0x5: {  	_ = 	snop  }
0x6: {  	_ = 	snop  }
0x7: {  	_ = 	snop  }
__scs_overlays_trampoline_lowered:
0x8: {  	[smem:$0x3FAF] =	sst s0  }
0x9: {  	[smem:$0x3FB0] =	sst s1  }
0xa: {  	[smem:$0x3FB1] =	sst s2  }
0xb: {  	[smem:$0x3FB2] =	sst s3  }
0xc: {  	[smem:$0x3FB3] =	sst s4  }
0xd: {  	[smem:$0x3FB4] =	sst s5  }
0xe: {  	[smem:$0x3FB5] =	sst s6  }
0xf: {  	[smem:$0x3FB6] =	sst s7  }
0x10: {  	[smem:$0x3FB7] =	sst s8  }
0x11: {  	[smem:$0x3FB8] =	sst s9;
	s0 =	simm.s32 @!p0 $0x0  }
0x12: {  	s1 =	sld [smem:$0x3F9E];
	s0 =	simm.s32 @p0 $0x1  }
0x13: {  	[smem:$0x3FB9] =	sst s0;
	s0 =	simm.s32 @!p1 $0x0  }
0x14: {  	s2 =	sld [smem:$0x3F9D];
	s0 =	simm.s32 @p1 $0x1  }
0x15: {  	[smem:$0x3FBA] =	sst s0;
	s0 =	simm.s32 @!p2 $0x0  }
0x16: {  	s3 =	sld [smem:$0x3FDB];
	s0 =	simm.s32 @p2 $0x1  }
0x17: {  	s4 =	simm.s32 $0x1BF5;
	[smem:$0x3FBC] =	sst s0  }
0x18: {  	s0 =	sld [smem:$0x3F9F];
	_ =	swait.ge [sflag:s4], $0x0  }
0x19: {  	s7 =	sld [smem:$0x3FA0]  }
0x1a: {  	s8 =	sadd.s32 $0xFFFFE003, lr  }
0x1b: {  	s9 =	sadd.s32 $0xFFFFFEF7, lr;
	s5 =	simm.s32 $0xFFFFFFFF;
	p2 =	slt.u32 s8, $0xFFFFF086  }
0x1c: {  	p1 =	slt.u32 s9, $0xF7A;
	s5 =	simm.s32 @!p2 $0x0  }
0x1d: {  	s5 =	simm.s32 @p1 $0x1;
	p0 =	seq.s32 s7, s2  }
0x1e: {  	s7 =	smul.u32 @!p0 $0xF7A, s2;
	p2 =	seq.s32 @!p0 s5, $0x0  }
0x1f: {  	s9 =	smul.u32 $0xF7A, s1;
	s8 =	simm.s32 @!p0 $0x1BF5;
	p2 =	por !p2, p0  }
0x20: {  	[sflag:s8] =	ssyncset.s32 @!p0 $0xFFFFF086;
	s6 =	sadd.s32 @!p0 s3, s7;
	s7 =	simm.s32 @!p0 $0x108  }
0x21: {  	s3 =	sadd.s32 s3, s9;
	s6 =	sadd.s32 @!p0 $0x88, s6;
	s7 =	simm.s32 @p2 $0x1082  }
0x22: {  	[simem:s7], [sflag:s8] =	dma.local @!p0 [hbm:s6], $0xF7A  }
0x23: {  	s9 =	sor.u32 $0xD0000000, s2;
	s6 =	simm.s32 $0x108;
	_ =	swait.ge @!p0 [sflag:s8], $0x0  }
0x24: {  	s3 =	sadd.s32 $0x88, s3;
	s6 =	simm.s32 @!p1 $0x1082;
	[sflag:s4] =	ssyncset.s32 $0xFFFFF086  }
0x25: {  	[simem:s6], [sflag:s4] =	dma.local [hbm:s3], $0xF7A  }
0x26: {  	[smem:$0x3FA0] =	sst s1;
	(tag) =	ssettag s2;
	_ =	strace s9  }
0x27: {  	s1 =	sld [smem:$0x3FB0]  }
0x28: {  	s2 =	sld [smem:$0x3FB1]  }
0x29: {  	s4 =	sld [smem:$0x3FB3]  }
0x2a: {  	p0 =	seq.s32 s5, $0x0;
	s5 =	sld [smem:$0x3FB4]  }
0x2b: {  	s6 =	sld [smem:$0x3FB5]  }
0x2c: {  	s7 =	sld [smem:$0x3FB6]  }
0x2d: {  	s3 =	simm.s32 $0x108;
	s8 =	sld [smem:$0x3FB7]  }
0x2e: {  	s3 =	simm.s32 @!p0 $0x1082;
	s9 =	sld [smem:$0x3FB8]  }
0x2f: {  	lr =	sadd.s32 s0, s3;
	s0 =	sld [smem:$0x3FAF]  }
0x30: {  	s3 =	sld [smem:$0x3FB2]  }
0x31: {  	[smem:$0x3FBB] =	sst s10  }
0x32: {  	s10 =	sld [smem:$0x3FB9];
	_ =	sdelay $0x3  }
0x33: {  	p0 =	seq.s32 s10, $0x1;
	s10 =	sld [smem:$0x3FBB];
	_ =	sdelay $0x3  }
0x34: {  	[smem:$0x3FBB] =	sst s10  }
0x35: {  	s10 =	sld [smem:$0x3FBA];
	_ =	sdelay $0x3  }
0x36: {  	p1 =	seq.s32 s10, $0x1;
	s10 =	sld [smem:$0x3FBB];
	_ =	sdelay $0x3  }
0x37: {  	[smem:$0x3FBB] =	sst s10  }
0x38: {  	s10 =	sld [smem:$0x3FBC]  }
0x39: {  	_ = 	snop;
	(pc) =	sbr.ind lr, $3  }
0x3a: {  	_ = 	snop  }
0x3b: {  	_ = 	snop  }
0x3c: {  	p2 =	seq.s32 s10, $0x1;
	s10 =	sld [smem:$0x3FBB]  }
0x3d: {  	_ =	shalt  }
0x3e: {  	_ =	shalt  }
0x3f: {  	_ =	shalt  }
0x40: {  	_ =	shalt  }
0x41: {  	_ =	shalt  }
0x42: {  	_ =	shalt  }
0x43: {  	_ =	shalt  }
0x44: {  	_ =	shalt  }
0x45: {  	_ =	shalt  }
0x46: {  	_ =	shalt  }
0x47: {  	_ =	shalt  }
0x48: {  	_ =	shalt  }
0x49: {  	_ =	shalt  }
0x4a: {  	_ =	shalt  }
0x4b: {  	_ =	shalt  }
0x4c: {  	_ =	shalt  }
0x4d: {  	_ =	shalt  }
0x4e: {  	_ =	shalt  }
0x4f: {  	_ =	shalt  }
0x50: {  	_ =	shalt  }
0x51: {  	_ =	shalt  }
0x52: {  	_ =	shalt  }
0x53: {  	_ =	shalt  }
0x54: {  	_ =	shalt  }
0x55: {  	_ =	shalt  }
0x56: {  	_ =	shalt  }
0x57: {  	_ =	shalt  }
0x58: {  	_ =	shalt  }
0x59: {  	_ =	shalt  }
0x5a: {  	_ =	shalt  }
0x5b: {  	_ =	shalt  }
0x5c: {  	_ =	shalt  }
0x5d: {  	_ =	shalt  }
0x5e: {  	_ =	shalt  }
0x5f: {  	_ =	shalt  }
0x60: {  	_ =	shalt  }
0x61: {  	_ =	shalt  }
0x62: {  	_ =	shalt  }
0x63: {  	_ =	shalt  }
0x64: {  	_ =	shalt  }
0x65: {  	_ =	shalt  }
0x66: {  	_ =	shalt  }
0x67: {  	_ =	shalt  }
0x68: {  	_ =	shalt  }
0x69: {  	_ =	shalt  }
0x6a: {  	_ =	shalt  }
0x6b: {  	_ =	shalt  }
0x6c: {  	_ =	shalt  }
0x6d: {  	_ =	shalt  }
0x6e: {  	_ =	shalt  }
0x6f: {  	_ =	shalt  }
0x70: {  	_ =	shalt  }
0x71: {  	_ =	shalt  }
0x72: {  	_ =	shalt  }
0x73: {  	_ =	shalt  }
0x74: {  	_ =	shalt  }
0x75: {  	_ =	shalt  }
0x76: {  	_ =	shalt  }
0x77: {  	_ =	shalt  }
0x78: {  	_ =	shalt  }
0x79: {  	_ =	shalt  }
0x7a: {  	_ =	shalt  }
0x7b: {  	_ =	shalt  }
0x7c: {  	_ =	shalt  }
0x7d: {  	_ =	shalt  }
0x7e: {  	_ =	shalt  }
0x7f: {  	_ =	shalt  }
0x80: {  	_ =	shalt  }
0x81: {  	_ =	shalt  }
0x82: {  	_ =	shalt  }
0x83: {  	_ =	shalt  }
0x84: {  	_ =	shalt  }
0x85: {  	_ =	shalt  }
0x86: {  	_ =	shalt  }
0x87: {  	_ =	shalt  }
.Lfunc_end0:
.L_simem_size_0:
called_computation_lowered:
.L_overlay_start_0:
0x88: {  	s2 =	sld [smem:$0x3FD9]  }
0x89: {  	s3 =	sld [smem:$0x3FFE];
	_ =	sdelay $0x1  }
0x8a: {  	s1 =	srdreg.scid  }
0x8b: {  	s0 =	sand.u32 $0x1, s1  }
0x8c: {  	s18 =	sshll.u32 s0, $0xA;
	s2 =	sadd.s32 s3, s2  }
0x8d: {  	s2 =	sadd.s32 s2, s18  }
0x8e: {  	[smem:$0x3FC7] =	sst s2  }
0x8f: {  	_ = 	snop  }
0x90: {  	s2 =	sld [smem:$0x3FC9]  }
0x91: {  	s19 =	sld [smem:$0x3FD0];
	(tm) =	ssettm $0x1  }
0x92: {  	s4 =	sld [smem:$0x3FFB];
	_ =	sdelay $0x3  }
0x93: {  	_ =	strace s4  }
0x94: {  	s4 =	sld [smem:$0x3FFC];
	_ =	sdelay $0x3  }
0x95: {  	_ =	strace s4  }
0x96: {  	s4 =	sld [smem:$0x3FFD];
	_ =	sdelay $0x3  }
0x97: {  	_ =	strace s4  }
0x98: {  	_ =	strace $0x8FFFFFFF  }
0x99: {  	s20 =	sld [smem:$0x3FDB];
	_ =	sdelay $0x1  }
0x9a: {  	s5 =	simm.s32 $_scs_section_size  }
0x9b: {  	s6 =	simm.s32 $_size__tile_overlayer_lowered;
	s7 =	simm.s32 $_tile_overlayer_lowered  }
0x9c: {  	s23 =	simm.s32 $0x1BFF;
	s22 =	sshll.u32 s7, $0x1;
	s4 =	sadd.s32 s5, s20  }
0x9d: {  	s8 =	simm.s32 $0x0;
	s21 =	sshll.u32 s6, $0x1;
	s6 =	sadd.s32 s22, s4  }
0x9e: {  	[timem:s8], [sflag:s23] =	dma.local [hbm:s6], s21  }
0x9f: {  	_ =	swait.ge [sflag:s23], s21  }
0xa0: {  	s5 =	ssub.s32 $0x0, s21;
	[sflag:s23] =	ssyncset.done $0x0  }
0xa1: {  	[sflag:s23] =	ssyncadd.s32 s5;
	_ =	sdelay $0x1  }
0xa2: {  	s24 =	simm.s32 $0x1B8B  }
0xa3: {  	_ =	swait.ge [sflag:s24], $0x1  }
0xa4: {  	[sflag:s24] =	ssyncset.done $0x0  }
0xa5: {  	s25 =	simm.s32 $0x1B8E;
	[sflag:s24] =	ssyncadd.s32 $0xFFFFFFFF  }
0xa6: {  	s26 =	simm.s32 $execute0_lowered;
	[smem:$0x3FD2] =	sst s25  }
0xa7: {  	s5 =	sshll.u32 s26, $0x1;
	_ =	strace $0x80000046;
	[dreg:$0x1] =	wrdreg $0xFFFFFFFF  }
0xa8: {  	s28 =	simm.s32 $_size_execute0_lowered;
	s4 =	sadd.s32 s4, s5;
	[dreg:$0x0] =	wrdreg $0x0  }
0xa9: {  	s5 =	sshll.u32 s28, $0x1;
	[dreg:$0x2] =	wrdreg s4  }
0xaa: {  	[dreg:$0x3] =	wrdreg s5  }
0xab: {  	[dreg:$0x4] =	wrdreg $0xC0  }
0xac: {  	_ =	task [dreg:s8], $0x5FFFF  }
0xad: {  	[dreg:$0x1] =	wrdreg $0xFFFFFFFF  }
0xae: {  	[dreg:$0x0] =	wrdreg $0x60  }
0xaf: {  	[dreg:$0x2] =	wrdreg s2  }
0xb0: {  	[dreg:$0x3] =	wrdreg s19  }
0xb1: {  	[dreg:$0x4] =	wrdreg $0x1D000  }
0xb2: {  	[dreg:$0x5] =	wrdreg $0x9  }
0xb3: {  	_ =	task.clear_ibuf [dreg:s8], $0x6FFFF;
	_ =	strace $0x90000046  }
0xb4: {  	s29 =	simm.s32 $0x9;
	_ =	strace $0x80000048  }
0xb5: {  	_ =	swait.ge [sflag:s29], $0x1  }
0xb6: {  	[sflag:s29] =	ssyncadd.s32 $0xFFFFFFFF  }
0xb7: {  	_ =	strace $0x90000048  }
0xb8: {  	_ =	sfence  }
0xb9: {  	s30 =	sld [smem:$0x0];
	_ =	sdelay $0x2  }
0xba: {  	s31 =	sshll.u32 s1, $0xD;
	s1 =	sshrl.u32 s1, $0x2  }
0xbb: {  	s3 =	sand.u32 $0x4000, s31;
	s1 =	sadd.s32 s1, s30  }
0xbc: {  	s0 =	sor.u32 s3, s0;
	s1 =	sshll.u32 s1, $0x11  }
0xbd: {  	s0 =	sor.u32 s1, s0  }
0xbe: {  	s0 =	sadd.s32 $0x8F2B, s0  }
0xbf: {  	[sflag:s0] =	ssyncadd.remote.s32 $0x1  }
0xc0: {  	_ =	sfence.sel $0xFFFF  }
0xc1: {  	[dreg:$0x0] =	wrdreg $0xFFFFFFFF;
	(pc) =	sbr.abs _section_cstart, $3  }
0xc2: {  	[dreg:$0x1] =	wrdreg $0xFFFFFFFF  }
0xc3: {  	_ =	task.clear_ibuf [dreg:s8], $0x2FFFF;
	_ =	strace $0x9FFFFFFF  }
0xc4: {  	(tm) =	ssettm $0x7FFFFFFF  }
0xc5: {  	_ =	shalt  }
tec
execute0_lowered:
.L_overlay_start_1:
0x0: {  	(tag) =	ssettag $0x1  }
0x1: {  	s7 =	rddreg [dreg:$0x0]  }
0x2: {  	s5 =	rddreg [dreg:$0x1]  }
0x3: {  	s2 =	rddreg [dreg:$0x2]  }
0x4: {  	s0 =	rddreg [dreg:$0x3];
	s4 =	srdreg.scid  }
0x5: {  	s1 =	stileid.u32;
	s3 =	simm.s32 $0x0;
	s11 =	simm.s32 $0x400  }
0x6: {  	s12 =	simm.s32 $0x100;
	s13 =	simm.s32 $0x180;
	s14 =	simm.s32 $0x200  }
0x7: {  	s15 =	simm.s32 $0x280;
	s16 =	simm.s32 $0x300;
	s6 =	smul.u32 $0x1870, s1  }
0x8: {  	s17 =	simm.s32 $0x380;
	s4 =	sand.u32 $0x1, s4;
	s31 =	smul.u32 $0x1900, s1  }
0x9: {  	s18 =	simm.s32 $0x0;
	s8 =	ssub.s32 $0x2, s4;
	s9 =	smul.u32 $0x18700, s4  }
0xa: {  	[smem:$0x7FF] =	sst s3;
	s29 =	smul.u32 $0x19000, s4;
	s10 =	sshrl.u32 s8, $0x1  }
0xb: {  	_ =	strace $0x80000047;
	s4 =	sadd.s32 s6, s2;
	s8 =	ssub.s32 s8, s10  }
0xc: {  	s9 =	sadd.s32 s6, s9;
	s7 =	sadd.s32 s29, s7;
	s10 =	simm.s32 $0x80  }
0xd: {  	s30 =	sshrl.u32 s9, $0x3;
	s6 =	smax.u32 s8, $0x1;
	s7 =	sadd.s32 s31, s7  }
0xe: {  	v0 =	vimm.f32 $1.000000000e+00;
	v1 =	vimm.f32 $0.0e+00;
	s8 =	simm.s32 $0x480;
	s9 =	simm.s32 $0x1;
	s5 =	sadd.s32 s5, s30  }
.LBB2_1:
0xf: {  	[tilespmem:$0x400] =	vst v0  }
0x10: {  	[tilespmem:$0x410] =	vst v0  }
0x11: {  	[tilespmem:$0x420] =	vst v0  }
0x12: {  	[tilespmem:$0x430] =	vst v0  }
0x13: {  	[tilespmem:$0x440] =	vst v0  }
0x14: {  	[tilespmem:$0x450] =	vst v0  }
0x15: {  	[tilespmem:$0x460] =	vst v0  }
0x16: {  	[tilespmem:$0x470] =	vst v0;
	s19 =	simm.s32 $0x40;
	s20 =	simm.s32 $0x0  }
.LBB2_2:
0x17: {  	p0 =	sne.s32 s19, $0x6180;
	[tilespmem:s20+$0x480] =	vst v1;
	s20 =	smov.u32 s19;
	s19 =	sadd.s32 $0x40, s19  }
.Ltmp0:
0x18: {  	(pc) =	sbr.rel @p0 .LBB2_2-.Ltmp0, $2  }
0x19: {  	_ =	sdelay $0x2  }
0x1a: {  	s20 =	sshra.s32 s20, $0x2  }
0x1b: {  	[tilespmem:s20+$0x480] =	vst v1  }
0x1c: {  	[spmem:s4] =	stream.linear.scatter [tilespmem:s8], [sflag:$0x1], $0x1870, $0x38;
	[tilespmem:$0x3570] =	vst v63  }
0x1d: {  	_ =	swait.ge [sflag:s9], $0x1870  }
0x1e: {  	[sflag:s9] =	ssyncset.done $0x0  }
0x1f: {  	[sflag:s9] =	ssyncadd.s32 $0xFFFFE790  }
0x20: {  	s19 =	sadd.s32 $0x0, s7;
	[bflag:$0x0] =	sbarrier.arrive $0xFFFF  }
0x21: {  	[tilespmem:s3], [sflag:$0x1] =	stream.linear.gather [hbm4b:s19+s3], $0x400, $0x38;
	[tilespmem:$0x3570] =	vst v63  }
0x22: {  	_ =	swait.ge [sflag:s9], $0x400  }
0x23: {  	[sflag:s9] =	ssyncset.done $0x0  }
0x24: {  	[sflag:s9] =	ssyncadd.s32 $0xFFFFFC00  }
0x25: {  	[spmem:s2] =	stream.indirect.scatter.add.f32 [tilespmem:s11], [sflag:$0x1], $0x1, s3, s10, $0xb8;
	[tilespmem:$0x3570] =	vst v63  }
0x26: {  	_ =	swait.ge [sflag:s9], $0x80  }
0x27: {  	[sflag:s9] =	ssyncset.done $0x0  }
0x28: {  	[sflag:s9] =	ssyncadd.s32 $0xFFFFFF80  }
0x29: {  	[spmem:s2] =	stream.indirect.scatter.add.f32 [tilespmem:s11], [sflag:$0x1], $0x1, s10, s10, $0xb8;
	[tilespmem:$0x3570] =	vst v63  }
0x2a: {  	_ =	swait.ge [sflag:s9], $0x80  }
0x2b: {  	[sflag:s9] =	ssyncset.done $0x0  }
0x2c: {  	[sflag:s9] =	ssyncadd.s32 $0xFFFFFF80  }
0x2d: {  	[spmem:s2] =	stream.indirect.scatter.add.f32 [tilespmem:s11], [sflag:$0x1], $0x1, s12, s10, $0xb8;
	[tilespmem:$0x3570] =	vst v63  }
0x2e: {  	_ =	swait.ge [sflag:s9], $0x80  }
0x2f: {  	[sflag:s9] =	ssyncset.done $0x0  }
0x30: {  	[sflag:s9] =	ssyncadd.s32 $0xFFFFFF80  }
0x31: {  	[spmem:s2] =	stream.indirect.scatter.add.f32 [tilespmem:s11], [sflag:$0x1], $0x1, s13, s10, $0xb8;
	[tilespmem:$0x3570] =	vst v63  }
0x32: {  	_ =	swait.ge [sflag:s9], $0x80  }
0x33: {  	[sflag:s9] =	ssyncset.done $0x0  }
0x34: {  	[sflag:s9] =	ssyncadd.s32 $0xFFFFFF80  }
0x35: {  	[spmem:s2] =	stream.indirect.scatter.add.f32 [tilespmem:s11], [sflag:$0x1], $0x1, s14, s10, $0xb8;
	[tilespmem:$0x3570] =	vst v63  }
0x36: {  	_ =	swait.ge [sflag:s9], $0x80  }
0x37: {  	[sflag:s9] =	ssyncset.done $0x0  }
0x38: {  	[sflag:s9] =	ssyncadd.s32 $0xFFFFFF80  }
0x39: {  	[spmem:s2] =	stream.indirect.scatter.add.f32 [tilespmem:s11], [sflag:$0x1], $0x1, s15, s10, $0xb8;
	[tilespmem:$0x3570] =	vst v63  }
0x3a: {  	_ =	swait.ge [sflag:s9], $0x80  }
0x3b: {  	[sflag:s9] =	ssyncset.done $0x0  }
0x3c: {  	[sflag:s9] =	ssyncadd.s32 $0xFFFFFF80  }
0x3d: {  	[spmem:s2] =	stream.indirect.scatter.add.f32 [tilespmem:s11], [sflag:$0x1], $0x1, s16, s10, $0xb8;
	[tilespmem:$0x3570] =	vst v63  }
0x3e: {  	_ =	swait.ge [sflag:s9], $0x80  }
0x3f: {  	[sflag:s9] =	ssyncset.done $0x0  }
0x40: {  	[sflag:s9] =	ssyncadd.s32 $0xFFFFFF80  }
0x41: {  	[spmem:s2] =	stream.indirect.scatter.add.f32 [tilespmem:s11], [sflag:$0x1], $0x1, s17, s10, $0xb8;
	[tilespmem:$0x3570] =	vst v63  }
0x42: {  	_ =	swait.ge [sflag:s9], $0x80  }
0x43: {  	s21 =	simm.s32 $0x100;
	s19 =	simm.s32 $0x80;
	[sflag:s9] =	ssyncset.done $0x0  }
.LBB2_4:
0x44: {  	s22 =	sadd.s32 s19, s7  }
0x45: {  	[sflag:s9] =	ssyncadd.s32 $0xFFFFFF80;
	s19 =	smov.u32 s21;
	s20 =	sadd.s32 $0x80, s21  }
0x46: {  	[tilespmem:s3], [sflag:$0x1] =	stream.linear.gather [hbm4b:s22+s3], $0x400, $0x38;
	[tilespmem:$0x3570] =	vst v63  }
0x47: {  	p0 =	sne.s32 s21, $0x1880;
	_ =	swait.ge [sflag:s9], $0x400  }
0x48: {  	[sflag:s9] =	ssyncset.done $0x0  }
0x49: {  	[sflag:s9] =	ssyncadd.s32 $0xFFFFFC00  }
0x4a: {  	[spmem:s2] =	stream.indirect.scatter.add.f32 [tilespmem:s11], [sflag:$0x1], $0x1, s3, s10, $0xb8;
	[tilespmem:$0x3570] =	vst v63  }
0x4b: {  	_ =	swait.ge [sflag:s9], $0x80  }
0x4c: {  	[sflag:s9] =	ssyncset.done $0x0  }
0x4d: {  	[sflag:s9] =	ssyncadd.s32 $0xFFFFFF80  }
0x4e: {  	[spmem:s2] =	stream.indirect.scatter.add.f32 [tilespmem:s11], [sflag:$0x1], $0x1, s10, s10, $0xb8;
	[tilespmem:$0x3570] =	vst v63  }
0x4f: {  	_ =	swait.ge [sflag:s9], $0x80  }
0x50: {  	[sflag:s9] =	ssyncset.done $0x0  }
0x51: {  	[sflag:s9] =	ssyncadd.s32 $0xFFFFFF80  }
0x52: {  	[spmem:s2] =	stream.indirect.scatter.add.f32 [tilespmem:s11], [sflag:$0x1], $0x1, s12, s10, $0xb8;
	[tilespmem:$0x3570] =	vst v63  }
0x53: {  	_ =	swait.ge [sflag:s9], $0x80  }
0x54: {  	[sflag:s9] =	ssyncset.done $0x0  }
0x55: {  	[sflag:s9] =	ssyncadd.s32 $0xFFFFFF80  }
0x56: {  	[spmem:s2] =	stream.indirect.scatter.add.f32 [tilespmem:s11], [sflag:$0x1], $0x1, s13, s10, $0xb8;
	[tilespmem:$0x3570] =	vst v63  }
0x57: {  	_ =	swait.ge [sflag:s9], $0x80  }
0x58: {  	[sflag:s9] =	ssyncset.done $0x0  }
0x59: {  	[sflag:s9] =	ssyncadd.s32 $0xFFFFFF80  }
0x5a: {  	[spmem:s2] =	stream.indirect.scatter.add.f32 [tilespmem:s11], [sflag:$0x1], $0x1, s14, s10, $0xb8;
	[tilespmem:$0x3570] =	vst v63  }
0x5b: {  	_ =	swait.ge [sflag:s9], $0x80  }
0x5c: {  	[sflag:s9] =	ssyncset.done $0x0  }
0x5d: {  	[sflag:s9] =	ssyncadd.s32 $0xFFFFFF80  }
0x5e: {  	[spmem:s2] =	stream.indirect.scatter.add.f32 [tilespmem:s11], [sflag:$0x1], $0x1, s15, s10, $0xb8;
	[tilespmem:$0x3570] =	vst v63  }
0x5f: {  	_ =	swait.ge [sflag:s9], $0x80  }
0x60: {  	[sflag:s9] =	ssyncset.done $0x0  }
0x61: {  	[sflag:s9] =	ssyncadd.s32 $0xFFFFFF80  }
0x62: {  	[spmem:s2] =	stream.indirect.scatter.add.f32 [tilespmem:s11], [sflag:$0x1], $0x1, s16, s10, $0xb8;
	[tilespmem:$0x3570] =	vst v63  }
0x63: {  	_ =	swait.ge [sflag:s9], $0x80  }
.Ltmp1:
0x64: {  	[sflag:s9] =	ssyncset.done $0x0;
	(pc) =	sbr.rel @p0 .LBB2_4-.Ltmp1, $4  }
0x65: {  	[sflag:s9] =	ssyncadd.s32 $0xFFFFFF80  }
0x66: {  	[spmem:s2] =	stream.indirect.scatter.add.f32 [tilespmem:s11], [sflag:$0x1], $0x1, s17, s10, $0xb8;
	[tilespmem:$0x3570] =	vst v63  }
0x67: {  	_ =	swait.ge [sflag:s9], $0x80  }
0x68: {  	s21 =	smov.u32 s20;
	[sflag:s9] =	ssyncset.done $0x0  }
0x69: {  	s19 =	sadd.s32 s19, s7;
	[sflag:s9] =	ssyncadd.s32 $0xFFFFFF80  }
0x6a: {  	[tilespmem:s3], [sflag:$0x1] =	stream.linear.gather [hbm4b:s19+s3], $0x400, $0x38;
	[tilespmem:$0x3570] =	vst v63  }
0x6b: {  	_ =	swait.ge [sflag:s9], $0x400  }
0x6c: {  	[sflag:s9] =	ssyncset.done $0x0  }
0x6d: {  	[sflag:s9] =	ssyncadd.s32 $0xFFFFFC00  }
0x6e: {  	[spmem:s2] =	stream.indirect.scatter.add.f32 [tilespmem:s11], [sflag:$0x1], $0x1, s3, s10, $0xb8;
	[tilespmem:$0x3570] =	vst v63  }
0x6f: {  	_ =	swait.ge [sflag:s9], $0x80  }
0x70: {  	[sflag:s9] =	ssyncset.done $0x0  }
0x71: {  	[sflag:s9] =	ssyncadd.s32 $0xFFFFFF80  }
0x72: {  	[spmem:s2] =	stream.indirect.scatter.add.f32 [tilespmem:s11], [sflag:$0x1], $0x1, s10, s10, $0xb8;
	[tilespmem:$0x3570] =	vst v63  }
0x73: {  	_ =	swait.ge [sflag:s9], $0x80  }
0x74: {  	[sflag:s9] =	ssyncset.done $0x0  }
0x75: {  	[sflag:s9] =	ssyncadd.s32 $0xFFFFFF80  }
0x76: {  	[spmem:s2] =	stream.indirect.scatter.add.f32 [tilespmem:s11], [sflag:$0x1], $0x1, s12, s10, $0xb8;
	[tilespmem:$0x3570] =	vst v63  }
0x77: {  	_ =	swait.ge [sflag:s9], $0x80  }
0x78: {  	[sflag:s9] =	ssyncset.done $0x0  }
0x79: {  	[sflag:s9] =	ssyncadd.s32 $0xFFFFFF80  }
0x7a: {  	[spmem:s2] =	stream.indirect.scatter.add.f32 [tilespmem:s11], [sflag:$0x1], $0x1, s13, s10, $0xb8;
	[tilespmem:$0x3570] =	vst v63  }
0x7b: {  	_ =	swait.ge [sflag:s9], $0x80  }
0x7c: {  	[sflag:s9] =	ssyncset.done $0x0  }
0x7d: {  	[sflag:s9] =	ssyncadd.s32 $0xFFFFFF80  }
0x7e: {  	[spmem:s2] =	stream.indirect.scatter.add.f32 [tilespmem:s11], [sflag:$0x1], $0x1, s14, s10, $0xb8;
	[tilespmem:$0x3570] =	vst v63  }
0x7f: {  	_ =	swait.ge [sflag:s9], $0x80  }
0x80: {  	[sflag:s9] =	ssyncset.done $0x0  }
0x81: {  	[sflag:s9] =	ssyncadd.s32 $0xFFFFFF80  }
0x82: {  	[spmem:s2] =	stream.indirect.scatter.add.f32 [tilespmem:s11], [sflag:$0x1], $0x1, s15, s10, $0xb8;
	[tilespmem:$0x3570] =	vst v63  }
0x83: {  	_ =	swait.ge [sflag:s9], $0x80  }
0x84: {  	[sflag:s9] =	ssyncset.done $0x0  }
0x85: {  	[sflag:s9] =	ssyncadd.s32 $0xFFFFFF80  }
0x86: {  	[spmem:s2] =	stream.indirect.scatter.add.f32 [tilespmem:s11], [sflag:$0x1], $0x1, s16, s10, $0xb8;
	[tilespmem:$0x3570] =	vst v63  }
0x87: {  	_ =	swait.ge [sflag:s9], $0x80  }
0x88: {  	[sflag:s9] =	ssyncset.done $0x0  }
0x89: {  	[sflag:s9] =	ssyncadd.s32 $0xFFFFFF80  }
0x8a: {  	[spmem:s2] =	stream.indirect.scatter.add.f32 [tilespmem:s11], [sflag:$0x1], $0x1, s17, s10, $0xb8;
	[tilespmem:$0x3570] =	vst v63  }
0x8b: {  	_ =	swait.ge [sflag:s9], $0x80  }
0x8c: {  	[sflag:s9] =	ssyncset.done $0x0  }
0x8d: {  	[sflag:s9] =	ssyncadd.s32 $0xFFFFFF80  }
0x8e: {  	[bflag:$0x0] =	sbarrier.arrive $0xFFFF  }
0x8f: {  	[tilespmem:s8], [sflag:$0x1] =	stream.linear.gather [spmem:s4], $0x1870, $0x38;
	[tilespmem:$0x3570] =	vst v63  }
0x90: {  	s18 =	sadd.s32 $0x1, s18;
	_ =	swait.ge [sflag:s9], $0x1870  }
0x91: {  	p0 =	sne.s32 s18, s6;
	[sflag:s9] =	ssyncset.done $0x0  }
.Ltmp2:
0x92: {  	[sflag:s9] =	ssyncadd.s32 $0xFFFFE790;
	(pc) =	sbr.rel @p0 .LBB2_1-.Ltmp2, $4  }
0x93: {  	[hbm4b:s5+s3] =	stream.linear.scatter [tilespmem:s8], [sflag:$0x1], $0x1870, $0x38;
	[tilespmem:$0x3570] =	vst v63  }
0x94: {  	_ =	swait.ge [sflag:s9], $0x1870  }
0x95: {  	[sflag:s9] =	ssyncset.done $0x0  }
0x96: {  	[sflag:s9] =	ssyncadd.s32 $0xFFFFE790  }
0x97: {  	_ =	sfence.sel $0x180000  }
0x98: {  	[bflag:$0x0] =	sbarrier.arrive $0xFFFF  }
0x99: {  	p0 =	sne.s32 s1, $0x0;
	_ =	strace $0x90000047  }
0x9a: {  	s0 =	sadd.s32 @!p0 $0x100000, s0;
	[bflag:$0x2] =	sbarrier.arrive $0xFFFF  }
0x9b: {  	[sflag:s0] =	ssyncadd.tile.s32 @!p0 $0x1;
	_ =	shalt  }
.Lfunc_end2:
_tile_overlayer_lowered:
.L_overlay_start_2:
0x9c: {  	(tag) =	ssettag $0x2  }
0x9d: {  	s0 =	rddreg [dreg:$0x0];
	s2 =	stileid.u32  }
0x9e: {  	s1 =	rddreg [dreg:$0x1];
	p0 =	sne.s32 s2, $0x0  }
0x9f: {  	s3 =	rddreg [dreg:$0x2];
	[bflag:$0x3] =	sbarrier.arrive $0xFFFF;
	s2 =	simm.s32 @!p0 $0x1C01  }
0xa0: {  	[timem:s3], [sflag:s2] =	dma.local @!p0 [hbm:s0], s1  }
0xa1: {  	s0 =	simm.s32 @!p0 $0x1  }
0xa2: {  	_ =	swait.ge @!p0 [sflag:s0], s1  }
0xa3: {  	s1 =	ssub.s32 @!p0 $0x0, s1;
	[sflag:s0] =	ssyncset.done @!p0 $0x0  }
0xa4: {  	[sflag:s0] =	ssyncadd.s32 @!p0 s1  }
0xa5: {  	[bflag:$0x3] =	sbarrier.arrive $0xFFFF  }
0xa6: {  	_ =	shalt  }

</sc_bundles>
